<compile_context>
chip_gen: v7x
topology: tpu7x:2x2x1
jax: 0.10.2.dev20260603
libtpu: 0.0.44.dev20260713+nightly
codegen_flags: <defaults>
</compile_context>

<pallas_src>
import functools

import jax
import jax.numpy as jnp
from jax import lax
from jax.experimental import pallas as pl
from jax.experimental.pallas import tpu as pltpu
from jax.experimental.pallas import tpu_sc as plsc

_LANES = 16

_TWEET_NUM = 17
_TWEET_LEN = 30
_BUCKETS = 4
_MAX_SEQ_LEN = 512
_TOKENS = _BUCKETS * _TWEET_NUM
_QUAD = _LANES // _BUCKETS
_BIG = 5
_SMALL = 4


def _build_pooler(B, S, D):
    mesh_cores = 1
    mesh = plsc.VectorSubcoreMesh(
        core_axis_name="c", subcore_axis_name="s", num_cores=mesh_cores
    )

    @functools.partial(
        pl.kernel,
        out_type=jax.ShapeDtypeStruct((_TOKENS, B, D), jnp.float32),
        mesh=mesh,
        scratch_types=[
            pltpu.VMEM((2 * _LANES,), jnp.int32),
            pltpu.VMEM((_LANES, D), jnp.float32),
            pltpu.VMEM((_BUCKETS, D), jnp.float32),
            pltpu.SemaphoreType.DMA,
            pltpu.SemaphoreType.DMA,
        ],
    )
    def pooler(hs_hbm, out_hbm, idx_v, rows_v, tail_v, sem_a, sem_b):
        wid = lax.axis_index("s") * mesh_cores + lax.axis_index("c")
        out_flat = out_hbm.reshape(_TOKENS * B, D)

        def vec(c):
            return jnp.full((_LANES,), c, jnp.int32)

        def fill_idx(t0):
            k = lax.iota(jnp.int32, _LANES)
            u = lax.shift_right_logical(k, 2)
            b = lax.bitwise_and(k, vec(_BUCKETS - 1))
            for h in range(2):
                t = lax.min(t0 + _QUAD * h + u, vec(_TOKENS - 1))
                jj = lax.div(t, vec(_TWEET_NUM))
                ii = t - jj * vec(_TWEET_NUM)
                seq = jj * vec(_MAX_SEQ_LEN) + ii * vec(_TWEET_LEN)
                seq = lax.min(seq, vec(S - 1))
                idx_v[pl.ds(h * _LANES, _LANES)] = b * S + seq

        def do_span(t0, n):
            fill_idx(t0)
            cp_a = pltpu.async_copy(
                hs_hbm.at[idx_v.at[pl.ds(0, _LANES)]], rows_v, sem_a
            )
            cp_b = None
            if n > _QUAD:
                cp_b = pltpu.async_copy(
                    hs_hbm.at[idx_v.at[pl.ds(_LANES, _BUCKETS)]], tail_v, sem_b
                )
            cp_a.wait()
            pltpu.sync_copy(rows_v, out_flat.at[pl.ds(t0 * _BUCKETS, _LANES)])
            if cp_b is not None:
                cp_b.wait()
                pltpu.sync_copy(
                    tail_v,
                    out_flat.at[pl.ds((t0 + _QUAD) * _BUCKETS, _BUCKETS)],
                )

        @pl.when(wid < 4)
        def _():
            do_span(wid * _BIG, _BIG)

        @pl.when(wid >= 4)
        def _():
            do_span(wid * _SMALL + 4, _SMALL)

    return pooler


def kernel(hidden_states, max_tweet_num, max_tweet_len):
    B, S, D = hidden_states.shape
    pooler = _build_pooler(B, S, D)
    out = pooler(hidden_states.reshape(B * S, D))
    return jnp.transpose(out, (1, 0, 2))

# --- scband reference (transcript-rebuilt; emitter-appended) ---
"""Pipeline reference for scband-mtbert-stance-pooler-47991964566021 (READ-ONLY COPY).

The authoritative reference and input builder live on the scoring server;
editing this copy changes nothing except your own understanding.
"""

import jax, jax.numpy as jnp
import numpy as np

def setup_inputs(seed: int = 0) -> dict:
    key = jax.random.key(seed)
    hidden_states = jax.random.normal(key, (4, 2048, 1024), dtype=jnp.float32)
    return {"hidden_states": hidden_states, "max_tweet_num": 17, "max_tweet_len": 30}

def reference(hidden_states, max_tweet_num, max_tweet_len):
    max_bucket_num = 4
    max_seq_len = 512
    static_tweet_num = 17
    i = jnp.arange(static_tweet_num, dtype=jnp.int32)
    j = jnp.arange(max_bucket_num, dtype=jnp.int32)
    # First bucket: token positions max_tweet_len * i for i in [0, max_tweet_num)
    tweet_offsets = jnp.where(i < max_tweet_num, max_tweet_len * i, 0).astype(jnp.int32)
    # Remaining buckets j in [1, max_bucket_num): positions max_seq_len*j + max_tweet_len*k
    idx = (max_seq_len * j[:, None] + tweet_offsets[None, :]).reshape(-1).astype(jnp.int32)
    # Gather along the sequence dimension -> [B, max_bucket_num * max_tweet_num, D]
    final_output = jnp.take(hidden_states, idx, axis=1)
    return final_output

if __name__ == "__main__":
    import jax
    _d = setup_inputs()
    print(jax.jit(kernel)(*tuple(_d.values())))

</pallas_src>

<mosaic_0001>
#map = affine_map<(d0, d1) -> (0, 0)>
#map1 = affine_map<(d0, d1) -> (0, 0, 0)>
module attributes {stable_mosaic.version = 14 : i64} {
  func.func @pooler(%arg0: i32, %arg1: i32, %arg2: memref<8192x1024xf32, #tpu.memory_space<hbm>>, %arg3: memref<68x4x1024xf32, #tpu.memory_space<hbm>>, %arg4: memref<32xi32, #tpu.memory_space<vmem>>, %arg5: memref<16x1024xf32, #tpu.memory_space<vmem>>, %arg6: memref<4x1024xf32, #tpu.memory_space<vmem>>, %arg7: memref<!tpu.dma_semaphore, #tpu.memory_space<semaphore_mem>>, %arg8: memref<!tpu.dma_semaphore, #tpu.memory_space<semaphore_mem>>) attributes {dimension_semantics = [#tpu.dimension_semantics<core_parallel>, #tpu.dimension_semantics<subcore_parallel>], iteration_bounds = array<i64: 1, 16>, scalar_prefetch = 0 : i64, scratch_operands = 5 : i64, tpu.core_type = #tpu.core_type<sc_vector_subcore>, window_params = [{transform_indices = #map}, {transform_indices = #map1}]} {
    %mul3A = arith.constant 1 : i32
    %mul3A_0 = arith.muli %arg1, %mul3A : i32
    %add3A = arith.addi %mul3A_0, %arg0 : i32
    %lt3A = arith.constant 4 : i32
    %lt3A_1 = arith.cmpi slt, %add3A, %lt3A : i32
    %convert_element_type3A = arith.extui %lt3A_1 : i1 to i32
    %cond3A = arith.constant 0 : i32
    %cond3A_2 = arith.cmpi ne, %convert_element_type3A, %cond3A : i32
    scf.if %cond3A_2 {
      %mul3A_7 = arith.constant 5 : i32
      %mul3A_8 = arith.muli %add3A, %mul3A_7 : i32
      %iota3A = tpu.iota {dimensions = array<i32: 0>} : vector<16xi32>
      %shift_right_logical3A = arith.constant 2 : i32
      %shift_right_logical3A_9 = vector.broadcast %shift_right_logical3A : i32 to vector<16xi32>
      %shift_right_logical3A_10 = arith.shrui %iota3A, %shift_right_logical3A_9 : vector<16xi32>
      %broadcast_in_dim3A = arith.constant 3 : i32
      %broadcast_in_dim3A_11 = vector.broadcast %broadcast_in_dim3A : i32 to vector<16xi32>
      %and3A = arith.andi %iota3A, %broadcast_in_dim3A_11 : vector<16xi32>
      %add3A_12 = arith.constant 0 : i32
      %add3A_13 = arith.addi %mul3A_8, %add3A_12 : i32
      %add3A_14 = vector.broadcast %add3A_13 : i32 to vector<16xi32>
      %add3A_15 = arith.addi %add3A_14, %shift_right_logical3A_10 : vector<16xi32>
      %broadcast_in_dim3A_16 = arith.constant 67 : i32
      %broadcast_in_dim3A_17 = vector.broadcast %broadcast_in_dim3A_16 : i32 to vector<16xi32>
      %min3A = arith.minsi %add3A_15, %broadcast_in_dim3A_17 : vector<16xi32>
      %broadcast_in_dim3A_18 = arith.constant 17 : i32
      %broadcast_in_dim3A_19 = vector.broadcast %broadcast_in_dim3A_18 : i32 to vector<16xi32>
      %div3A = arith.divsi %min3A, %broadcast_in_dim3A_19 : vector<16xi32>
      %broadcast_in_dim3A_20 = arith.constant 17 : i32
      %broadcast_in_dim3A_21 = vector.broadcast %broadcast_in_dim3A_20 : i32 to vector<16xi32>
      %mul3A_22 = arith.muli %div3A, %broadcast_in_dim3A_21 : vector<16xi32>
      %sub3A = arith.subi %min3A, %mul3A_22 : vector<16xi32>
      %broadcast_in_dim3A_23 = arith.constant 512 : i32
      %broadcast_in_dim3A_24 = vector.broadcast %broadcast_in_dim3A_23 : i32 to vector<16xi32>
      %mul3A_25 = arith.muli %div3A, %broadcast_in_dim3A_24 : vector<16xi32>
      %broadcast_in_dim3A_26 = arith.constant 30 : i32
      %broadcast_in_dim3A_27 = vector.broadcast %broadcast_in_dim3A_26 : i32 to vector<16xi32>
      %mul3A_28 = arith.muli %sub3A, %broadcast_in_dim3A_27 : vector<16xi32>
      %add3A_29 = arith.addi %mul3A_25, %mul3A_28 : vector<16xi32>
      %broadcast_in_dim3A_30 = arith.constant 2047 : i32
      %broadcast_in_dim3A_31 = vector.broadcast %broadcast_in_dim3A_30 : i32 to vector<16xi32>
      %min3A_32 = arith.minsi %add3A_29, %broadcast_in_dim3A_31 : vector<16xi32>
      %mul3A_33 = arith.constant 2048 : i32
      %mul3A_34 = vector.broadcast %mul3A_33 : i32 to vector<16xi32>
      %mul3A_35 = arith.muli %and3A, %mul3A_34 : vector<16xi32>
      %add3A_36 = arith.addi %mul3A_35, %min3A_32 : vector<16xi32>
      %swap3A = arith.constant 0 : index
      %swap3A_37 = tpu.vector_load %arg4[%swap3A] {strides = array<i32>} : memref<32xi32, #tpu.memory_space<vmem>>, vector<16xi32>,
      %swap3A_38 = vector.shape_cast %swap3A_37 : vector<16xi32> to vector<16xi32>
      %swap3A_39 = vector.shape_cast %add3A_36 : vector<16xi32> to vector<16xi32>
      tpu.vector_store %arg4[%swap3A], %swap3A_39 {strides = array<i32>} : memref<32xi32, #tpu.memory_space<vmem>>, vector<16xi32>,
      %add3A_40 = arith.constant 4 : i32
      %add3A_41 = arith.addi %mul3A_8, %add3A_40 : i32
      %add3A_42 = vector.broadcast %add3A_41 : i32 to vector<16xi32>
      %add3A_43 = arith.addi %add3A_42, %shift_right_logical3A_10 : vector<16xi32>
      %broadcast_in_dim3A_44 = arith.constant 67 : i32
      %broadcast_in_dim3A_45 = vector.broadcast %broadcast_in_dim3A_44 : i32 to vector<16xi32>
      %min3A_46 = arith.minsi %add3A_43, %broadcast_in_dim3A_45 : vector<16xi32>
      %broadcast_in_dim3A_47 = arith.constant 17 : i32
      %broadcast_in_dim3A_48 = vector.broadcast %broadcast_in_dim3A_47 : i32 to vector<16xi32>
      %div3A_49 = arith.divsi %min3A_46, %broadcast_in_dim3A_48 : vector<16xi32>
      %broadcast_in_dim3A_50 = arith.constant 17 : i32
      %broadcast_in_dim3A_51 = vector.broadcast %broadcast_in_dim3A_50 : i32 to vector<16xi32>
      %mul3A_52 = arith.muli %div3A_49, %broadcast_in_dim3A_51 : vector<16xi32>
      %sub3A_53 = arith.subi %min3A_46, %mul3A_52 : vector<16xi32>
      %broadcast_in_dim3A_54 = arith.constant 512 : i32
      %broadcast_in_dim3A_55 = vector.broadcast %broadcast_in_dim3A_54 : i32 to vector<16xi32>
      %mul3A_56 = arith.muli %div3A_49, %broadcast_in_dim3A_55 : vector<16xi32>
      %broadcast_in_dim3A_57 = arith.constant 30 : i32
      %broadcast_in_dim3A_58 = vector.broadcast %broadcast_in_dim3A_57 : i32 to vector<16xi32>
      %mul3A_59 = arith.muli %sub3A_53, %broadcast_in_dim3A_58 : vector<16xi32>
      %add3A_60 = arith.addi %mul3A_56, %mul3A_59 : vector<16xi32>
      %broadcast_in_dim3A_61 = arith.constant 2047 : i32
      %broadcast_in_dim3A_62 = vector.broadcast %broadcast_in_dim3A_61 : i32 to vector<16xi32>
      %min3A_63 = arith.minsi %add3A_60, %broadcast_in_dim3A_62 : vector<16xi32>
      %mul3A_64 = arith.constant 2048 : i32
      %mul3A_65 = vector.broadcast %mul3A_64 : i32 to vector<16xi32>
      %mul3A_66 = arith.muli %and3A, %mul3A_65 : vector<16xi32>
      %add3A_67 = arith.addi %mul3A_66, %min3A_63 : vector<16xi32>
      %swap3A_68 = arith.constant 16 : index
      %swap3A_69 = tpu.vector_load %arg4[%swap3A_68] {strides = array<i32>} : memref<32xi32, #tpu.memory_space<vmem>>, vector<16xi32>,
      %swap3A_70 = vector.shape_cast %swap3A_69 : vector<16xi32> to vector<16xi32>
      %swap3A_71 = vector.shape_cast %add3A_67 : vector<16xi32> to vector<16xi32>
      tpu.vector_store %arg4[%swap3A_68], %swap3A_71 {strides = array<i32>} : memref<32xi32, #tpu.memory_space<vmem>>, vector<16xi32>,
      %dma_start3A = arith.constant 0 : i32
      %dma_start3A_72 = tpu.memref_slice %arg4[%dma_start3A] : memref<32xi32, #tpu.memory_space<vmem>> -> memref<16xi32, #tpu.memory_space<vmem>>
      %dma_start3A_73 = arith.constant 0 : i32
      %dma_start3A_74 = arith.constant 0 : i32
      %dma_start3A_75 = tpu.memref_slice %arg2[%dma_start3A_73, %dma_start3A_74] : memref<8192x1024xf32, #tpu.memory_space<hbm>> -> memref<8192x1024xf32, #tpu.memory_space<hbm>>
      tpu.enqueue_indirect_dma source(%dma_start3A_75 : memref<8192x1024xf32, #tpu.memory_space<hbm>>) target(%arg5 : memref<16x1024xf32, #tpu.memory_space<vmem>>) offsets(%dma_start3A_72 : memref<16xi32, #tpu.memory_space<vmem>>) semaphore(%arg7 : memref<!tpu.dma_semaphore, #tpu.memory_space<semaphore_mem>>)
      %dma_start3A_76 = arith.constant 16 : i32
      %dma_start3A_77 = tpu.memref_slice %arg4[%dma_start3A_76] : memref<32xi32, #tpu.memory_space<vmem>> -> memref<4xi32, #tpu.memory_space<vmem>>
      %dma_start3A_78 = arith.constant 0 : i32
      %dma_start3A_79 = arith.constant 0 : i32
      %dma_start3A_80 = tpu.memref_slice %arg2[%dma_start3A_78, %dma_start3A_79] : memref<8192x1024xf32, #tpu.memory_space<hbm>> -> memref<8192x1024xf32, #tpu.memory_space<hbm>>
      tpu.enqueue_indirect_dma source(%dma_start3A_80 : memref<8192x1024xf32, #tpu.memory_space<hbm>>) target(%arg6 : memref<4x1024xf32, #tpu.memory_space<vmem>>) offsets(%dma_start3A_77 : memref<4xi32, #tpu.memory_space<vmem>>) semaphore(%arg8 : memref<!tpu.dma_semaphore, #tpu.memory_space<semaphore_mem>>)
      %dma_wait3A = arith.constant 0 : i32
      %dma_wait3A_81 = tpu.memref_slice %arg4[%dma_wait3A] : memref<32xi32, #tpu.memory_space<vmem>> -> memref<16xi32, #tpu.memory_space<vmem>>
      %dma_wait3A_82 = arith.constant 0 : i32
      %dma_wait3A_83 = arith.constant 0 : i32
      %dma_wait3A_84 = tpu.memref_slice %arg2[%dma_wait3A_82, %dma_wait3A_83] : memref<8192x1024xf32, #tpu.memory_space<hbm>> -> memref<8192x1024xf32, #tpu.memory_space<hbm>>
      tpu.wait_indirect_dma semaphore(%arg7 : memref<!tpu.dma_semaphore, #tpu.memory_space<semaphore_mem>>) src(%dma_wait3A_84 : memref<8192x1024xf32, #tpu.memory_space<hbm>>) dst(%arg5 : memref<16x1024xf32, #tpu.memory_space<vmem>>)
      %mul3A_85 = arith.constant 4 : i32
      %mul3A_86 = arith.muli %mul3A_8, %mul3A_85 : i32
      "tpu.region"() ({
        %run_scoped3A = tpu.sem_alloc : memref<!tpu.dma_semaphore, #tpu.memory_space<semaphore_mem>>
        %dma_start3A_96 = tpu.memref_reshape %arg3 : memref<68x4x1024xf32, #tpu.memory_space<hbm>> -> memref<272x1024xf32, #tpu.memory_space<hbm>>
        %dma_start3A_97 = arith.constant 0 : i32
        %dma_start3A_98 = tpu.memref_slice %dma_start3A_96[%mul3A_86, %dma_start3A_97] : memref<272x1024xf32, #tpu.memory_space<hbm>> -> memref<16x1024xf32, #tpu.memory_space<hbm>>
        %dma_start3A_99 = tpu.memref_reshape %arg3 : memref<68x4x1024xf32, #tpu.memory_space<hbm>> -> memref<272x1024xf32, #tpu.memory_space<hbm>>
        %dma_start3A_100 = arith.constant 0 : i32
        %dma_start3A_101 = tpu.memref_slice %dma_start3A_99[%mul3A_86, %dma_start3A_100] : memref<272x1024xf32, #tpu.memory_space<hbm>> -> memref<16x1024xf32, #tpu.memory_space<hbm>>
        tpu.enqueue_dma source(%arg5 : memref<16x1024xf32, #tpu.memory_space<vmem>>) target(%dma_start3A_101 : memref<16x1024xf32, #tpu.memory_space<hbm>>) target_semaphore(%run_scoped3A : memref<!tpu.dma_semaphore, #tpu.memory_space<semaphore_mem>>)
        %dma_wait3A_102 = tpu.memref_reshape %arg3 : memref<68x4x1024xf32, #tpu.memory_space<hbm>> -> memref<272x1024xf32, #tpu.memory_space<hbm>>
        %dma_wait3A_103 = arith.constant 0 : i32
        %dma_wait3A_104 = tpu.memref_slice %dma_wait3A_102[%mul3A_86, %dma_wait3A_103] : memref<272x1024xf32, #tpu.memory_space<hbm>> -> memref<16x1024xf32, #tpu.memory_space<hbm>>
        %dma_wait3A_105 = tpu.memref_reshape %arg3 : memref<68x4x1024xf32, #tpu.memory_space<hbm>> -> memref<272x1024xf32, #tpu.memory_space<hbm>>
        %dma_wait3A_106 = arith.constant 0 : i32
        %dma_wait3A_107 = tpu.memref_slice %dma_wait3A_105[%mul3A_86, %dma_wait3A_106] : memref<272x1024xf32, #tpu.memory_space<hbm>> -> memref<16x1024xf32, #tpu.memory_space<hbm>>
        tpu.wait_dma2 semaphore(%run_scoped3A : memref<!tpu.dma_semaphore, #tpu.memory_space<semaphore_mem>>) src(%arg5 : memref<16x1024xf32, #tpu.memory_space<vmem>>) dst(%dma_wait3A_107 : memref<16x1024xf32, #tpu.memory_space<hbm>>)
        tpu.yield
      }) : () -> ()
      %dma_wait3A_87 = arith.constant 16 : i32
      %dma_wait3A_88 = tpu.memref_slice %arg4[%dma_wait3A_87] : memref<32xi32, #tpu.memory_space<vmem>> -> memref<4xi32, #tpu.memory_space<vmem>>
      %dma_wait3A_89 = arith.constant 0 : i32
      %dma_wait3A_90 = arith.constant 0 : i32
      %dma_wait3A_91 = tpu.memref_slice %arg2[%dma_wait3A_89, %dma_wait3A_90] : memref<8192x1024xf32, #tpu.memory_space<hbm>> -> memref<8192x1024xf32, #tpu.memory_space<hbm>>
      tpu.wait_indirect_dma semaphore(%arg8 : memref<!tpu.dma_semaphore, #tpu.memory_space<semaphore_mem>>) src(%dma_wait3A_91 : memref<8192x1024xf32, #tpu.memory_space<hbm>>) dst(%arg6 : memref<4x1024xf32, #tpu.memory_space<vmem>>)
      %add3A_92 = arith.constant 4 : i32
      %add3A_93 = arith.addi %mul3A_8, %add3A_92 : i32
      %mul3A_94 = arith.constant 4 : i32
      %mul3A_95 = arith.muli %add3A_93, %mul3A_94 : i32
      "tpu.region"() ({
        %run_scoped3A = tpu.sem_alloc : memref<!tpu.dma_semaphore, #tpu.memory_space<semaphore_mem>>
        %dma_start3A_96 = tpu.memref_reshape %arg3 : memref<68x4x1024xf32, #tpu.memory_space<hbm>> -> memref<272x1024xf32, #tpu.memory_space<hbm>>
        %dma_start3A_97 = arith.constant 0 : i32
        %dma_start3A_98 = tpu.memref_slice %dma_start3A_96[%mul3A_95, %dma_start3A_97] : memref<272x1024xf32, #tpu.memory_space<hbm>> -> memref<4x1024xf32, #tpu.memory_space<hbm>>
        %dma_start3A_99 = tpu.memref_reshape %arg3 : memref<68x4x1024xf32, #tpu.memory_space<hbm>> -> memref<272x1024xf32, #tpu.memory_space<hbm>>
        %dma_start3A_100 = arith.constant 0 : i32
        %dma_start3A_101 = tpu.memref_slice %dma_start3A_99[%mul3A_95, %dma_start3A_100] : memref<272x1024xf32, #tpu.memory_space<hbm>> -> memref<4x1024xf32, #tpu.memory_space<hbm>>
        tpu.enqueue_dma source(%arg6 : memref<4x1024xf32, #tpu.memory_space<vmem>>) target(%dma_start3A_101 : memref<4x1024xf32, #tpu.memory_space<hbm>>) target_semaphore(%run_scoped3A : memref<!tpu.dma_semaphore, #tpu.memory_space<semaphore_mem>>)
        %dma_wait3A_102 = tpu.memref_reshape %arg3 : memref<68x4x1024xf32, #tpu.memory_space<hbm>> -> memref<272x1024xf32, #tpu.memory_space<hbm>>
        %dma_wait3A_103 = arith.constant 0 : i32
        %dma_wait3A_104 = tpu.memref_slice %dma_wait3A_102[%mul3A_95, %dma_wait3A_103] : memref<272x1024xf32, #tpu.memory_space<hbm>> -> memref<4x1024xf32, #tpu.memory_space<hbm>>
        %dma_wait3A_105 = tpu.memref_reshape %arg3 : memref<68x4x1024xf32, #tpu.memory_space<hbm>> -> memref<272x1024xf32, #tpu.memory_space<hbm>>
        %dma_wait3A_106 = arith.constant 0 : i32
        %dma_wait3A_107 = tpu.memref_slice %dma_wait3A_105[%mul3A_95, %dma_wait3A_106] : memref<272x1024xf32, #tpu.memory_space<hbm>> -> memref<4x1024xf32, #tpu.memory_space<hbm>>
        tpu.wait_dma2 semaphore(%run_scoped3A : memref<!tpu.dma_semaphore, #tpu.memory_space<semaphore_mem>>) src(%arg6 : memref<4x1024xf32, #tpu.memory_space<vmem>>) dst(%dma_wait3A_107 : memref<4x1024xf32, #tpu.memory_space<hbm>>)
        tpu.yield
      }) : () -> ()
    } else {
    }
    %ge3A = arith.constant 4 : i32
    %ge3A_3 = arith.cmpi sge, %add3A, %ge3A : i32
    %convert_element_type3A_4 = arith.extui %ge3A_3 : i1 to i32
    %cond3A_5 = arith.constant 0 : i32
    %cond3A_6 = arith.cmpi ne, %convert_element_type3A_4, %cond3A_5 : i32
    scf.if %cond3A_6 {
      %mul3A_7 = arith.constant 4 : i32
      %mul3A_8 = arith.muli %add3A, %mul3A_7 : i32
      %add3A_9 = arith.constant 4 : i32
      %add3A_10 = arith.addi %mul3A_8, %add3A_9 : i32
      %iota3A = tpu.iota {dimensions = array<i32: 0>} : vector<16xi32>
      %shift_right_logical3A = arith.constant 2 : i32
      %shift_right_logical3A_11 = vector.broadcast %shift_right_logical3A : i32 to vector<16xi32>
      %shift_right_logical3A_12 = arith.shrui %iota3A, %shift_right_logical3A_11 : vector<16xi32>
      %broadcast_in_dim3A = arith.constant 3 : i32
      %broadcast_in_dim3A_13 = vector.broadcast %broadcast_in_dim3A : i32 to vector<16xi32>
      %and3A = arith.andi %iota3A, %broadcast_in_dim3A_13 : vector<16xi32>
      %add3A_14 = arith.constant 0 : i32
      %add3A_15 = arith.addi %add3A_10, %add3A_14 : i32
      %add3A_16 = vector.broadcast %add3A_15 : i32 to vector<16xi32>
      %add3A_17 = arith.addi %add3A_16, %shift_right_logical3A_12 : vector<16xi32>
      %broadcast_in_dim3A_18 = arith.constant 67 : i32
      %broadcast_in_dim3A_19 = vector.broadcast %broadcast_in_dim3A_18 : i32 to vector<16xi32>
      %min3A = arith.minsi %add3A_17, %broadcast_in_dim3A_19 : vector<16xi32>
      %broadcast_in_dim3A_20 = arith.constant 17 : i32
      %broadcast_in_dim3A_21 = vector.broadcast %broadcast_in_dim3A_20 : i32 to vector<16xi32>
      %div3A = arith.divsi %min3A, %broadcast_in_dim3A_21 : vector<16xi32>
      %broadcast_in_dim3A_22 = arith.constant 17 : i32
      %broadcast_in_dim3A_23 = vector.broadcast %broadcast_in_dim3A_22 : i32 to vector<16xi32>
      %mul3A_24 = arith.muli %div3A, %broadcast_in_dim3A_23 : vector<16xi32>
      %sub3A = arith.subi %min3A, %mul3A_24 : vector<16xi32>
      %broadcast_in_dim3A_25 = arith.constant 512 : i32
      %broadcast_in_dim3A_26 = vector.broadcast %broadcast_in_dim3A_25 : i32 to vector<16xi32>
      %mul3A_27 = arith.muli %div3A, %broadcast_in_dim3A_26 : vector<16xi32>
      %broadcast_in_dim3A_28 = arith.constant 30 : i32
      %broadcast_in_dim3A_29 = vector.broadcast %broadcast_in_dim3A_28 : i32 to vector<16xi32>
      %mul3A_30 = arith.muli %sub3A, %broadcast_in_dim3A_29 : vector<16xi32>
      %add3A_31 = arith.addi %mul3A_27, %mul3A_30 : vector<16xi32>
      %broadcast_in_dim3A_32 = arith.constant 2047 : i32
      %broadcast_in_dim3A_33 = vector.broadcast %broadcast_in_dim3A_32 : i32 to vector<16xi32>
      %min3A_34 = arith.minsi %add3A_31, %broadcast_in_dim3A_33 : vector<16xi32>
      %mul3A_35 = arith.constant 2048 : i32
      %mul3A_36 = vector.broadcast %mul3A_35 : i32 to vector<16xi32>
      %mul3A_37 = arith.muli %and3A, %mul3A_36 : vector<16xi32>
      %add3A_38 = arith.addi %mul3A_37, %min3A_34 : vector<16xi32>
      %swap3A = arith.constant 0 : index
      %swap3A_39 = tpu.vector_load %arg4[%swap3A] {strides = array<i32>} : memref<32xi32, #tpu.memory_space<vmem>>, vector<16xi32>,
      %swap3A_40 = vector.shape_cast %swap3A_39 : vector<16xi32> to vector<16xi32>
      %swap3A_41 = vector.shape_cast %add3A_38 : vector<16xi32> to vector<16xi32>
      tpu.vector_store %arg4[%swap3A], %swap3A_41 {strides = array<i32>} : memref<32xi32, #tpu.memory_space<vmem>>, vector<16xi32>,
      %add3A_42 = arith.constant 4 : i32
      %add3A_43 = arith.addi %add3A_10, %add3A_42 : i32
      %add3A_44 = vector.broadcast %add3A_43 : i32 to vector<16xi32>
      %add3A_45 = arith.addi %add3A_44, %shift_right_logical3A_12 : vector<16xi32>
      %broadcast_in_dim3A_46 = arith.constant 67 : i32
      %broadcast_in_dim3A_47 = vector.broadcast %broadcast_in_dim3A_46 : i32 to vector<16xi32>
      %min3A_48 = arith.minsi %add3A_45, %broadcast_in_dim3A_47 : vector<16xi32>
      %broadcast_in_dim3A_49 = arith.constant 17 : i32
      %broadcast_in_dim3A_50 = vector.broadcast %broadcast_in_dim3A_49 : i32 to vector<16xi32>
      %div3A_51 = arith.divsi %min3A_48, %broadcast_in_dim3A_50 : vector<16xi32>
      %broadcast_in_dim3A_52 = arith.constant 17 : i32
      %broadcast_in_dim3A_53 = vector.broadcast %broadcast_in_dim3A_52 : i32 to vector<16xi32>
      %mul3A_54 = arith.muli %div3A_51, %broadcast_in_dim3A_53 : vector<16xi32>
      %sub3A_55 = arith.subi %min3A_48, %mul3A_54 : vector<16xi32>
      %broadcast_in_dim3A_56 = arith.constant 512 : i32
      %broadcast_in_dim3A_57 = vector.broadcast %broadcast_in_dim3A_56 : i32 to vector<16xi32>
      %mul3A_58 = arith.muli %div3A_51, %broadcast_in_dim3A_57 : vector<16xi32>
      %broadcast_in_dim3A_59 = arith.constant 30 : i32
      %broadcast_in_dim3A_60 = vector.broadcast %broadcast_in_dim3A_59 : i32 to vector<16xi32>
      %mul3A_61 = arith.muli %sub3A_55, %broadcast_in_dim3A_60 : vector<16xi32>
      %add3A_62 = arith.addi %mul3A_58, %mul3A_61 : vector<16xi32>
      %broadcast_in_dim3A_63 = arith.constant 2047 : i32
      %broadcast_in_dim3A_64 = vector.broadcast %broadcast_in_dim3A_63 : i32 to vector<16xi32>
      %min3A_65 = arith.minsi %add3A_62, %broadcast_in_dim3A_64 : vector<16xi32>
      %mul3A_66 = arith.constant 2048 : i32
      %mul3A_67 = vector.broadcast %mul3A_66 : i32 to vector<16xi32>
      %mul3A_68 = arith.muli %and3A, %mul3A_67 : vector<16xi32>
      %add3A_69 = arith.addi %mul3A_68, %min3A_65 : vector<16xi32>
      %swap3A_70 = arith.constant 16 : index
      %swap3A_71 = tpu.vector_load %arg4[%swap3A_70] {strides = array<i32>} : memref<32xi32, #tpu.memory_space<vmem>>, vector<16xi32>,
      %swap3A_72 = vector.shape_cast %swap3A_71 : vector<16xi32> to vector<16xi32>
      %swap3A_73 = vector.shape_cast %add3A_69 : vector<16xi32> to vector<16xi32>
      tpu.vector_store %arg4[%swap3A_70], %swap3A_73 {strides = array<i32>} : memref<32xi32, #tpu.memory_space<vmem>>, vector<16xi32>,
      %dma_start3A = arith.constant 0 : i32
      %dma_start3A_74 = tpu.memref_slice %arg4[%dma_start3A] : memref<32xi32, #tpu.memory_space<vmem>> -> memref<16xi32, #tpu.memory_space<vmem>>
      %dma_start3A_75 = arith.constant 0 : i32
      %dma_start3A_76 = arith.constant 0 : i32
      %dma_start3A_77 = tpu.memref_slice %arg2[%dma_start3A_75, %dma_start3A_76] : memref<8192x1024xf32, #tpu.memory_space<hbm>> -> memref<8192x1024xf32, #tpu.memory_space<hbm>>
      tpu.enqueue_indirect_dma source(%dma_start3A_77 : memref<8192x1024xf32, #tpu.memory_space<hbm>>) target(%arg5 : memref<16x1024xf32, #tpu.memory_space<vmem>>) offsets(%dma_start3A_74 : memref<16xi32, #tpu.memory_space<vmem>>) semaphore(%arg7 : memref<!tpu.dma_semaphore, #tpu.memory_space<semaphore_mem>>)
      %dma_wait3A = arith.constant 0 : i32
      %dma_wait3A_78 = tpu.memref_slice %arg4[%dma_wait3A] : memref<32xi32, #tpu.memory_space<vmem>> -> memref<16xi32, #tpu.memory_space<vmem>>
      %dma_wait3A_79 = arith.constant 0 : i32
      %dma_wait3A_80 = arith.constant 0 : i32
      %dma_wait3A_81 = tpu.memref_slice %arg2[%dma_wait3A_79, %dma_wait3A_80] : memref<8192x1024xf32, #tpu.memory_space<hbm>> -> memref<8192x1024xf32, #tpu.memory_space<hbm>>
      tpu.wait_indirect_dma semaphore(%arg7 : memref<!tpu.dma_semaphore, #tpu.memory_space<semaphore_mem>>) src(%dma_wait3A_81 : memref<8192x1024xf32, #tpu.memory_space<hbm>>) dst(%arg5 : memref<16x1024xf32, #tpu.memory_space<vmem>>)
      %mul3A_82 = arith.constant 4 : i32
      %mul3A_83 = arith.muli %add3A_10, %mul3A_82 : i32
      "tpu.region"() ({
        %run_scoped3A = tpu.sem_alloc : memref<!tpu.dma_semaphore, #tpu.memory_space<semaphore_mem>>
        %dma_start3A_84 = tpu.memref_reshape %arg3 : memref<68x4x1024xf32, #tpu.memory_space<hbm>> -> memref<272x1024xf32, #tpu.memory_space<hbm>>
        %dma_start3A_85 = arith.constant 0 : i32
        %dma_start3A_86 = tpu.memref_slice %dma_start3A_84[%mul3A_83, %dma_start3A_85] : memref<272x1024xf32, #tpu.memory_space<hbm>> -> memref<16x1024xf32, #tpu.memory_space<hbm>>
        %dma_start3A_87 = tpu.memref_reshape %arg3 : memref<68x4x1024xf32, #tpu.memory_space<hbm>> -> memref<272x1024xf32, #tpu.memory_space<hbm>>
        %dma_start3A_88 = arith.constant 0 : i32
        %dma_start3A_89 = tpu.memref_slice %dma_start3A_87[%mul3A_83, %dma_start3A_88] : memref<272x1024xf32, #tpu.memory_space<hbm>> -> memref<16x1024xf32, #tpu.memory_space<hbm>>
        tpu.enqueue_dma source(%arg5 : memref<16x1024xf32, #tpu.memory_space<vmem>>) target(%dma_start3A_89 : memref<16x1024xf32, #tpu.memory_space<hbm>>) target_semaphore(%run_scoped3A : memref<!tpu.dma_semaphore, #tpu.memory_space<semaphore_mem>>)
        %dma_wait3A_90 = tpu.memref_reshape %arg3 : memref<68x4x1024xf32, #tpu.memory_space<hbm>> -> memref<272x1024xf32, #tpu.memory_space<hbm>>
        %dma_wait3A_91 = arith.constant 0 : i32
        %dma_wait3A_92 = tpu.memref_slice %dma_wait3A_90[%mul3A_83, %dma_wait3A_91] : memref<272x1024xf32, #tpu.memory_space<hbm>> -> memref<16x1024xf32, #tpu.memory_space<hbm>>
        %dma_wait3A_93 = tpu.memref_reshape %arg3 : memref<68x4x1024xf32, #tpu.memory_space<hbm>> -> memref<272x1024xf32, #tpu.memory_space<hbm>>
        %dma_wait3A_94 = arith.constant 0 : i32
        %dma_wait3A_95 = tpu.memref_slice %dma_wait3A_93[%mul3A_83, %dma_wait3A_94] : memref<272x1024xf32, #tpu.memory_space<hbm>> -> memref<16x1024xf32, #tpu.memory_space<hbm>>
        tpu.wait_dma2 semaphore(%run_scoped3A : memref<!tpu.dma_semaphore, #tpu.memory_space<semaphore_mem>>) src(%arg5 : memref<16x1024xf32, #tpu.memory_space<vmem>>) dst(%dma_wait3A_95 : memref<16x1024xf32, #tpu.memory_space<hbm>>)
        tpu.yield
      }) : () -> ()
    } else {
    }
    return
  }
}

</mosaic_0001>

<sc_bundles>
// kernel: kernel.3.cloned.1.call-start
scs
__scs_entry_jumppad:
0x0: {  	(pc) =	sbr.rel $0x88, $3  }
0x1: {  	(tag) =	ssettag $0x0;
	lr =	simm.s32 $0x1  }
0x2: {  	[smem:$0x3FA0] =	sst lr;
	_ =	strace $0xD0000000  }
0x3: {  	_ = 	snop  }
0x4: {  	_ = 	snop  }
0x5: {  	_ = 	snop  }
0x6: {  	_ = 	snop  }
0x7: {  	_ = 	snop  }
__scs_overlays_trampoline_lowered:
0x8: {  	[smem:$0x3FAF] =	sst s0  }
0x9: {  	[smem:$0x3FB0] =	sst s1  }
0xa: {  	[smem:$0x3FB1] =	sst s2  }
0xb: {  	[smem:$0x3FB2] =	sst s3  }
0xc: {  	[smem:$0x3FB3] =	sst s4  }
0xd: {  	[smem:$0x3FB4] =	sst s5  }
0xe: {  	[smem:$0x3FB5] =	sst s6  }
0xf: {  	[smem:$0x3FB6] =	sst s7  }
0x10: {  	[smem:$0x3FB7] =	sst s8  }
0x11: {  	[smem:$0x3FB8] =	sst s9;
	s0 =	simm.s32 @!p0 $0x0  }
0x12: {  	s1 =	sld [smem:$0x3F9E];
	s0 =	simm.s32 @p0 $0x1  }
0x13: {  	[smem:$0x3FB9] =	sst s0;
	s0 =	simm.s32 @!p1 $0x0  }
0x14: {  	s2 =	sld [smem:$0x3F9D];
	s0 =	simm.s32 @p1 $0x1  }
0x15: {  	[smem:$0x3FBA] =	sst s0;
	s0 =	simm.s32 @!p2 $0x0  }
0x16: {  	s3 =	sld [smem:$0x3FDB];
	s0 =	simm.s32 @p2 $0x1  }
0x17: {  	s4 =	simm.s32 $0x1BF5;
	[smem:$0x3FBC] =	sst s0  }
0x18: {  	s0 =	sld [smem:$0x3F9F];
	_ =	swait.ge [sflag:s4], $0x0  }
0x19: {  	s7 =	sld [smem:$0x3FA0]  }
0x1a: {  	s8 =	sadd.s32 $0xFFFFE003, lr  }
0x1b: {  	s9 =	sadd.s32 $0xFFFFFEF7, lr;
	s5 =	simm.s32 $0xFFFFFFFF;
	p2 =	slt.u32 s8, $0xFFFFF086  }
0x1c: {  	p1 =	slt.u32 s9, $0xF7A;
	s5 =	simm.s32 @!p2 $0x0  }
0x1d: {  	s5 =	simm.s32 @p1 $0x1;
	p0 =	seq.s32 s7, s2  }
0x1e: {  	s7 =	smul.u32 @!p0 $0xF7A, s2;
	p2 =	seq.s32 @!p0 s5, $0x0  }
0x1f: {  	s9 =	smul.u32 $0xF7A, s1;
	s8 =	simm.s32 @!p0 $0x1BF5;
	p2 =	por !p2, p0  }
0x20: {  	[sflag:s8] =	ssyncset.s32 @!p0 $0xFFFFF086;
	s6 =	sadd.s32 @!p0 s3, s7;
	s7 =	simm.s32 @!p0 $0x108  }
0x21: {  	s3 =	sadd.s32 s3, s9;
	s6 =	sadd.s32 @!p0 $0x88, s6;
	s7 =	simm.s32 @p2 $0x1082  }
0x22: {  	[simem:s7], [sflag:s8] =	dma.local @!p0 [hbm:s6], $0xF7A  }
0x23: {  	s9 =	sor.u32 $0xD0000000, s2;
	s6 =	simm.s32 $0x108;
	_ =	swait.ge @!p0 [sflag:s8], $0x0  }
0x24: {  	s3 =	sadd.s32 $0x88, s3;
	s6 =	simm.s32 @!p1 $0x1082;
	[sflag:s4] =	ssyncset.s32 $0xFFFFF086  }
0x25: {  	[simem:s6], [sflag:s4] =	dma.local [hbm:s3], $0xF7A  }
0x26: {  	[smem:$0x3FA0] =	sst s1;
	(tag) =	ssettag s2;
	_ =	strace s9  }
0x27: {  	s1 =	sld [smem:$0x3FB0]  }
0x28: {  	s2 =	sld [smem:$0x3FB1]  }
0x29: {  	s4 =	sld [smem:$0x3FB3]  }
0x2a: {  	p0 =	seq.s32 s5, $0x0;
	s5 =	sld [smem:$0x3FB4]  }
0x2b: {  	s6 =	sld [smem:$0x3FB5]  }
0x2c: {  	s7 =	sld [smem:$0x3FB6]  }
0x2d: {  	s3 =	simm.s32 $0x108;
	s8 =	sld [smem:$0x3FB7]  }
0x2e: {  	s3 =	simm.s32 @!p0 $0x1082;
	s9 =	sld [smem:$0x3FB8]  }
0x2f: {  	lr =	sadd.s32 s0, s3;
	s0 =	sld [smem:$0x3FAF]  }
0x30: {  	s3 =	sld [smem:$0x3FB2]  }
0x31: {  	[smem:$0x3FBB] =	sst s10  }
0x32: {  	s10 =	sld [smem:$0x3FB9];
	_ =	sdelay $0x3  }
0x33: {  	p0 =	seq.s32 s10, $0x1;
	s10 =	sld [smem:$0x3FBB];
	_ =	sdelay $0x3  }
0x34: {  	[smem:$0x3FBB] =	sst s10  }
0x35: {  	s10 =	sld [smem:$0x3FBA];
	_ =	sdelay $0x3  }
0x36: {  	p1 =	seq.s32 s10, $0x1;
	s10 =	sld [smem:$0x3FBB];
	_ =	sdelay $0x3  }
0x37: {  	[smem:$0x3FBB] =	sst s10  }
0x38: {  	s10 =	sld [smem:$0x3FBC]  }
0x39: {  	_ = 	snop;
	(pc) =	sbr.ind lr, $3  }
0x3a: {  	_ = 	snop  }
0x3b: {  	_ = 	snop  }
0x3c: {  	p2 =	seq.s32 s10, $0x1;
	s10 =	sld [smem:$0x3FBB]  }
0x3d: {  	_ =	shalt  }
0x3e: {  	_ =	shalt  }
0x3f: {  	_ =	shalt  }
0x40: {  	_ =	shalt  }
0x41: {  	_ =	shalt  }
0x42: {  	_ =	shalt  }
0x43: {  	_ =	shalt  }
0x44: {  	_ =	shalt  }
0x45: {  	_ =	shalt  }
0x46: {  	_ =	shalt  }
0x47: {  	_ =	shalt  }
0x48: {  	_ =	shalt  }
0x49: {  	_ =	shalt  }
0x4a: {  	_ =	shalt  }
0x4b: {  	_ =	shalt  }
0x4c: {  	_ =	shalt  }
0x4d: {  	_ =	shalt  }
0x4e: {  	_ =	shalt  }
0x4f: {  	_ =	shalt  }
0x50: {  	_ =	shalt  }
0x51: {  	_ =	shalt  }
0x52: {  	_ =	shalt  }
0x53: {  	_ =	shalt  }
0x54: {  	_ =	shalt  }
0x55: {  	_ =	shalt  }
0x56: {  	_ =	shalt  }
0x57: {  	_ =	shalt  }
0x58: {  	_ =	shalt  }
0x59: {  	_ =	shalt  }
0x5a: {  	_ =	shalt  }
0x5b: {  	_ =	shalt  }
0x5c: {  	_ =	shalt  }
0x5d: {  	_ =	shalt  }
0x5e: {  	_ =	shalt  }
0x5f: {  	_ =	shalt  }
0x60: {  	_ =	shalt  }
0x61: {  	_ =	shalt  }
0x62: {  	_ =	shalt  }
0x63: {  	_ =	shalt  }
0x64: {  	_ =	shalt  }
0x65: {  	_ =	shalt  }
0x66: {  	_ =	shalt  }
0x67: {  	_ =	shalt  }
0x68: {  	_ =	shalt  }
0x69: {  	_ =	shalt  }
0x6a: {  	_ =	shalt  }
0x6b: {  	_ =	shalt  }
0x6c: {  	_ =	shalt  }
0x6d: {  	_ =	shalt  }
0x6e: {  	_ =	shalt  }
0x6f: {  	_ =	shalt  }
0x70: {  	_ =	shalt  }
0x71: {  	_ =	shalt  }
0x72: {  	_ =	shalt  }
0x73: {  	_ =	shalt  }
0x74: {  	_ =	shalt  }
0x75: {  	_ =	shalt  }
0x76: {  	_ =	shalt  }
0x77: {  	_ =	shalt  }
0x78: {  	_ =	shalt  }
0x79: {  	_ =	shalt  }
0x7a: {  	_ =	shalt  }
0x7b: {  	_ =	shalt  }
0x7c: {  	_ =	shalt  }
0x7d: {  	_ =	shalt  }
0x7e: {  	_ =	shalt  }
0x7f: {  	_ =	shalt  }
0x80: {  	_ =	shalt  }
0x81: {  	_ =	shalt  }
0x82: {  	_ =	shalt  }
0x83: {  	_ =	shalt  }
0x84: {  	_ =	shalt  }
0x85: {  	_ =	shalt  }
0x86: {  	_ =	shalt  }
0x87: {  	_ =	shalt  }
.Lfunc_end0:
.L_simem_size_0:
called_computation_lowered:
.L_overlay_start_0:
0x88: {  	s0 =	sld [smem:$0x3FD9]  }
0x89: {  	s1 =	sld [smem:$0x3FFE];
	_ =	sdelay $0x3  }
0x8a: {  	s0 =	sadd.s32 s1, s0  }
0x8b: {  	[smem:$0x3FC7] =	sst s0  }
0x8c: {  	_ = 	snop  }
0x8d: {  	s0 =	sld [smem:$0x3FC9]  }
0x8e: {  	s17 =	sld [smem:$0x3FD0];
	(tm) =	ssettm $0x1  }
0x8f: {  	s2 =	sld [smem:$0x3FFB];
	_ =	sdelay $0x3  }
0x90: {  	_ =	strace s2  }
0x91: {  	s2 =	sld [smem:$0x3FFC];
	_ =	sdelay $0x3  }
0x92: {  	_ =	strace s2  }
0x93: {  	s2 =	sld [smem:$0x3FFD];
	_ =	sdelay $0x3  }
0x94: {  	_ =	strace s2  }
0x95: {  	_ =	strace $0x8FFFFFFF  }
0x96: {  	s18 =	sld [smem:$0x3FDB];
	_ =	sdelay $0x1  }
0x97: {  	s3 =	simm.s32 $_scs_section_size  }
0x98: {  	s4 =	simm.s32 $_size__tile_overlayer_lowered;
	s5 =	simm.s32 $_tile_overlayer_lowered  }
0x99: {  	s21 =	simm.s32 $0x1BFF;
	s20 =	sshll.u32 s5, $0x1;
	s2 =	sadd.s32 s3, s18  }
0x9a: {  	s6 =	simm.s32 $0x0;
	s19 =	sshll.u32 s4, $0x1;
	s4 =	sadd.s32 s20, s2  }
0x9b: {  	[timem:s6], [sflag:s21] =	dma.local [hbm:s4], s19  }
0x9c: {  	_ =	swait.ge [sflag:s21], s19  }
0x9d: {  	s3 =	ssub.s32 $0x0, s19;
	[sflag:s21] =	ssyncset.done $0x0  }
0x9e: {  	[sflag:s21] =	ssyncadd.s32 s3;
	_ =	sdelay $0x1  }
0x9f: {  	s22 =	simm.s32 $0x1B8B  }
0xa0: {  	_ =	swait.ge [sflag:s22], $0x1  }
0xa1: {  	[sflag:s22] =	ssyncset.done $0x0  }
0xa2: {  	s23 =	simm.s32 $0x1B8E;
	[sflag:s22] =	ssyncadd.s32 $0xFFFFFFFF  }
0xa3: {  	s24 =	simm.s32 $execute0_lowered;
	[smem:$0x3FD2] =	sst s23  }
0xa4: {  	s3 =	sshll.u32 s24, $0x1;
	_ =	strace $0x80000046;
	[dreg:$0x1] =	wrdreg $0xFFFFFFFF  }
0xa5: {  	s25 =	simm.s32 $_size_execute0_lowered;
	s2 =	sadd.s32 s2, s3;
	[dreg:$0x0] =	wrdreg $0x0  }
0xa6: {  	s3 =	sshll.u32 s25, $0x1;
	[dreg:$0x2] =	wrdreg s2  }
0xa7: {  	[dreg:$0x3] =	wrdreg s3  }
0xa8: {  	[dreg:$0x4] =	wrdreg $0xC0  }
0xa9: {  	_ =	task [dreg:s6], $0x5FFFF  }
0xaa: {  	[dreg:$0x1] =	wrdreg $0xFFFFFFFF  }
0xab: {  	[dreg:$0x0] =	wrdreg $0x60  }
0xac: {  	[dreg:$0x2] =	wrdreg s0  }
0xad: {  	[dreg:$0x3] =	wrdreg s17  }
0xae: {  	[dreg:$0x4] =	wrdreg $0x9  }
0xaf: {  	_ =	task.clear_ibuf [dreg:s6], $0x5FFFF;
	_ =	strace $0x90000046  }
0xb0: {  	s26 =	simm.s32 $0x9;
	_ =	strace $0x80000048  }
0xb1: {  	_ =	swait.ge [sflag:s26], $0x1  }
0xb2: {  	[sflag:s26] =	ssyncadd.s32 $0xFFFFFFFF  }
0xb3: {  	_ =	strace $0x90000048  }
0xb4: {  	_ =	sfence  }
0xb5: {  	s28 =	sld [smem:$0x0];
	_ =	sdelay $0x1  }
0xb6: {  	s29 =	srdreg.scid  }
0xb7: {  	s30 =	sshll.u32 s29, $0xD;
	s31 =	sshrl.u32 s29, $0x2  }
0xb8: {  	s1 =	sand.u32 $0x1, s29;
	s2 =	sand.u32 $0x4000, s30;
	s0 =	sadd.s32 s31, s28  }
0xb9: {  	s1 =	sor.u32 s2, s1;
	s0 =	sshll.u32 s0, $0x11  }
0xba: {  	s0 =	sor.u32 s0, s1  }
0xbb: {  	s0 =	sadd.s32 $0x8F2B, s0  }
0xbc: {  	[sflag:s0] =	ssyncadd.remote.s32 $0x1  }
0xbd: {  	_ =	sfence.sel $0xFFFF  }
0xbe: {  	[dreg:$0x0] =	wrdreg $0xFFFFFFFF;
	(pc) =	sbr.abs _section_cstart, $3  }
0xbf: {  	[dreg:$0x1] =	wrdreg $0xFFFFFFFF  }
0xc0: {  	_ =	task.clear_ibuf [dreg:s6], $0x2FFFF;
	_ =	strace $0x9FFFFFFF  }
0xc1: {  	(tm) =	ssettm $0x7FFFFFFF  }
tec
execute0_lowered:
.L_overlay_start_1:
0x0: {  	(tag) =	ssettag $0x1  }
0x1: {  	s1 =	stileid.u32  }
0x2: {  	p0 =	sgt.u32 s1, $0x3  }
.Ltmp0:
0x3: {  	_ = 	snop;
	(pc) =	sbr.rel @p0 .LBB2_2-.Ltmp0, $4  }
0x4: {  	s4 =	rddreg [dreg:$0x0]  }
0x5: {  	s2 =	rddreg [dreg:$0x1];
	s3 =	simm.s32 $0x0  }
0x6: {  	[smem:$0x7FF] =	sst s3  }
0x7: {  	s0 =	rddreg [dreg:$0x2];
	_ =	strace $0x80000047  }
0x8: {  	s5 =	smul.u32 $0x5, s1;
	v0 =	vlaneseq.u32  }
0x9: {  	v1 =	vshrl.u32 v0, $0x2  }
0xa: {  	v2 =	vadd.s32 s5, v1  }
0xb: {  	v3 =	vmulhi.u32 $0xF0F0F10, v2;
	_ =	sdelay $0x1  }
0xc: {  	v4 =	vmul.u32 $0xFFFFFFEF, v3;
	_ =	sdelay $0x1  }
0xd: {  	v2 =	vadd.s32 v2, v4  }
0xe: {  	v2 =	vmul.u32 $0x1E, v2  }
0xf: {  	v3 =	vshll.u32 v3, $0x9  }
0x10: {  	v58 =	vand.u32 $0x3, v0;
	s5 =	sadd.s32 $0x4, s5;
	v2 =	vadd.s32 v3, v2  }
0x11: {  	v59 =	vmul.u32 $0x800, v58;
	v5 =	vadd.s32 s5, v1;
	vm0 =	vlt.s32 v2, $0x7FF  }
0x12: {  	v7 =	vmulhi.u32 $0xF0F0F10, v5;
	v2 =	vnsel vm0, $0x7FF, v2  }
0x13: {  	v6 =	vadd.s32 v59, v2  }
0x14: {  	v9 =	vmul.u32 $0xFFFFFFEF, v7;
	v8 =	vshll.u32 v6, $0x3  }
0x15: {  	v60 =	vand.u32 $0x7, v0;
	v2 =	vand.u32 $0x7, v2;
	v8 =	vand.u32 $0xFFFFFFC0, v8  }
0x16: {  	v61 =	vshrl.u32 v0, $0x3;
	v5 =	vadd.s32 v5, v9;
	v2 =	vor.u32 v2, v8  }
0x17: {  	v9 =	vmul.u32 $0x8, v61;
	v5 =	vmul.u32 $0x1E, v5;
	v8 =	vperm.xlane v2, v60  }
0x18: {  	v7 =	vshll.u32 v7, $0x9  }
0x19: {  	v5 =	vadd.s32 v7, v5;
	v62 =	vadd.s32 v9, v8  }
0x1a: {  	vm14 =	vlt.s32 v5, $0x7FF  }
0x1b: {  	v5 =	vnsel vm14, $0x7FF, v5  }
0x1c: {  	v4 =	vadd.s32 v59, v5;
	[tilespmem:$0x0] =	vst v6  }
0x1d: {  	vm15 =	vmmov $0xffff;
	s6 =	simm.s32 $0x80;
	[tilespmem:$0x10] =	vst v4  }
0x1e: {  	v0 =	vor.u32 $0x8, v0;
	[tilespmem:s6], [sflag:$0x1] =	stream.indirect_vreg.gather [hbm4b:s4+s3], $0x80, v62, vm15, $0xb8;
	[tilespmem:$0x5080] =	vst v63  }
0x1f: {  	s7 =	sadd.s32 $0x100, s4;
	s8 =	simm.s32 $0x880;
	v0 =	vperm.xlane v2, v0  }
0x20: {  	[tilespmem:s8], [sflag:$0x1] =	stream.indirect_vreg.gather [hbm4b:s7+s3], $0x80, v62, vm15, $0xb8;
	[tilespmem:$0x5080] =	vst v63  }
0x21: {  	s9 =	sadd.s32 $0x200, s4;
	s10 =	simm.s32 $0x1080;
	v0 =	vadd.s32 v9, v0  }
0x22: {  	[tilespmem:s10], [sflag:$0x1] =	stream.indirect_vreg.gather [hbm4b:s9+s3], $0x80, v62, vm15, $0xb8;
	[tilespmem:$0x5080] =	vst v63  }
0x23: {  	s11 =	sadd.s32 $0x300, s4;
	s12 =	simm.s32 $0x1880  }
0x24: {  	[tilespmem:s12], [sflag:$0x1] =	stream.indirect_vreg.gather [hbm4b:s11+s3], $0x80, v62, vm15, $0xb8;
	[tilespmem:$0x5080] =	vst v63  }
0x25: {  	s13 =	simm.s32 $0x2080  }
0x26: {  	[tilespmem:s13], [sflag:$0x1] =	stream.indirect_vreg.gather [hbm4b:s4+s3], $0x80, v0, vm15, $0xb8;
	[tilespmem:$0x5080] =	vst v63  }
0x27: {  	s14 =	simm.s32 $0x2880  }
0x28: {  	[tilespmem:s14], [sflag:$0x1] =	stream.indirect_vreg.gather [hbm4b:s7+s3], $0x80, v0, vm15, $0xb8;
	[tilespmem:$0x5080] =	vst v63  }
0x29: {  	s7 =	simm.s32 $0x3080  }
0x2a: {  	[tilespmem:s7], [sflag:$0x1] =	stream.indirect_vreg.gather [hbm4b:s9+s3], $0x80, v0, vm15, $0xb8;
	[tilespmem:$0x5080] =	vst v63  }
0x2b: {  	s15 =	simm.s32 $0x3880  }
0x2c: {  	[tilespmem:s15], [sflag:$0x1] =	stream.indirect_vreg.gather [hbm4b:s11+s3], $0x80, v0, vm15, $0xb8;
	[tilespmem:$0x5080] =	vst v63  }
0x2d: {  	v0 =	vld.msk [tilespmem:$0x10], $0xf;
	_ =	sdelay $0x4  }
0x2e: {  	v63 =	vshll.u32 v0, $0x3  }
0x2f: {  	v0 =	vand.u32 $0x7, v0;
	v2 =	vand.u32 $0xFFFFFFC0, v63  }
0x30: {  	v0 =	vor.u32 v0, v2  }
0x31: {  	v1 =	vmul.u32 $0x8, v1;
	v0 =	vperm.xlane v0, v58;
	_ =	sdelay $0x1  }
0x32: {  	v0 =	vadd.s32 v1, v0;
	_ =	sdelay $0x3  }
0x33: {  	s11 =	simm.s32 $0x4080  }
0x34: {  	[tilespmem:s11], [sflag:$0x2] =	stream.indirect_vreg.gather [hbm4b:s4+s3], $0x80, v0, vm15, $0xb8;
	[tilespmem:$0x5080] =	vst v63  }
0x35: {  	s21 =	simm.s32 $0x4880;
	s23 =	simm.s32 $0x1  }
0x36: {  	[tilespmem:s21], [sflag:$0x2] =	stream.indirect_vreg.gather [hbm4b:s9+s3], $0x80, v0, vm15, $0xb8;
	[tilespmem:$0x5080] =	vst v63  }
0x37: {  	s22 =	smul.u32 $0xA00, s1;
	_ =	swait.ge [sflag:s23], $0x4000  }
0x38: {  	s16 =	simm.s32 $0x1000;
	[sflag:s23] =	ssyncset.done $0x0  }
0x39: {  	s4 =	sadd.s32 s2, s22;
	s9 =	simm.s32 $0x200;
	[sflag:s23] =	ssyncadd.s32 $0xFFFFC000  }
0x3a: {  	[hbm4b:s4+s9] =	stream.strided.scatter [tilespmem:s6], [sflag:$0x3], $0x400, s16, s9, $0x38;
	[tilespmem:$0x5080] =	vst v63  }
0x3b: {  	s17 =	simm.s32 $0x480;
	s24 =	sadd.s32 $0x40, s4  }
0x3c: {  	[hbm4b:s24+s9] =	stream.strided.scatter [tilespmem:s17], [sflag:$0x3], $0x400, s16, s9, $0x38;
	[tilespmem:$0x5080] =	vst v63  }
0x3d: {  	s25 =	sadd.s32 $0x80, s4  }
0x3e: {  	[hbm4b:s25+s9] =	stream.strided.scatter [tilespmem:s8], [sflag:$0x3], $0x400, s16, s9, $0x38;
	[tilespmem:$0x5080] =	vst v63  }
0x3f: {  	s28 =	simm.s32 $0xC80;
	s26 =	sadd.s32 $0xC0, s4  }
0x40: {  	[hbm4b:s26+s9] =	stream.strided.scatter [tilespmem:s28], [sflag:$0x3], $0x400, s16, s9, $0x38;
	[tilespmem:$0x5080] =	vst v63  }
0x41: {  	s29 =	sadd.s32 $0x100, s4  }
0x42: {  	[hbm4b:s29+s9] =	stream.strided.scatter [tilespmem:s10], [sflag:$0x3], $0x400, s16, s9, $0x38;
	[tilespmem:$0x5080] =	vst v63  }
0x43: {  	s31 =	simm.s32 $0x1480;
	s30 =	sadd.s32 $0x140, s4  }
0x44: {  	[hbm4b:s30+s9] =	stream.strided.scatter [tilespmem:s31], [sflag:$0x3], $0x400, s16, s9, $0x38;
	[tilespmem:$0x5080] =	vst v63  }
0x45: {  	s8 =	sadd.s32 $0x180, s4  }
0x46: {  	[hbm4b:s8+s9] =	stream.strided.scatter [tilespmem:s12], [sflag:$0x3], $0x400, s16, s9, $0x38;
	[tilespmem:$0x5080] =	vst v63  }
0x47: {  	s10 =	sadd.s32 $0x1C0, s4;
	s12 =	simm.s32 $0x1C80  }
0x48: {  	[hbm4b:s10+s9] =	stream.strided.scatter [tilespmem:s12], [sflag:$0x3], $0x400, s16, s9, $0x38;
	[tilespmem:$0x5080] =	vst v63  }
0x49: {  	s17 =	sadd.s32 $0x400, s4  }
0x4a: {  	[hbm4b:s17+s9] =	stream.strided.scatter [tilespmem:s13], [sflag:$0x3], $0x400, s16, s9, $0x38;
	[tilespmem:$0x5080] =	vst v63  }
0x4b: {  	s19 =	simm.s32 $0x2480;
	s18 =	sadd.s32 $0x440, s4  }
0x4c: {  	[hbm4b:s18+s9] =	stream.strided.scatter [tilespmem:s19], [sflag:$0x3], $0x400, s16, s9, $0x38;
	[tilespmem:$0x5080] =	vst v63  }
0x4d: {  	s20 =	sadd.s32 $0x480, s4  }
0x4e: {  	[hbm4b:s20+s9] =	stream.strided.scatter [tilespmem:s14], [sflag:$0x3], $0x400, s16, s9, $0x38;
	[tilespmem:$0x5080] =	vst v63  }
0x4f: {  	s22 =	simm.s32 $0x2C80;
	s21 =	sadd.s32 $0x4C0, s4  }
0x50: {  	[hbm4b:s21+s9] =	stream.strided.scatter [tilespmem:s22], [sflag:$0x3], $0x400, s16, s9, $0x38;
	[tilespmem:$0x5080] =	vst v63  }
0x51: {  	s23 =	sadd.s32 $0x500, s4  }
0x52: {  	[hbm4b:s23+s9] =	stream.strided.scatter [tilespmem:s7], [sflag:$0x3], $0x400, s16, s9, $0x38;
	[tilespmem:$0x5080] =	vst v63  }
0x53: {  	s24 =	sadd.s32 $0x540, s4;
	s25 =	simm.s32 $0x3480  }
0x54: {  	[hbm4b:s24+s9] =	stream.strided.scatter [tilespmem:s25], [sflag:$0x3], $0x400, s16, s9, $0x38;
	[tilespmem:$0x5080] =	vst v63  }
0x55: {  	s26 =	sadd.s32 $0x580, s4  }
0x56: {  	[hbm4b:s26+s9] =	stream.strided.scatter [tilespmem:s15], [sflag:$0x3], $0x400, s16, s9, $0x38;
	[tilespmem:$0x5080] =	vst v63  }
0x57: {  	s28 =	simm.s32 $0x3C80;
	s4 =	sadd.s32 $0x5C0, s4;
	s29 =	simm.s32 $0x3  }
0x58: {  	[hbm4b:s4+s9] =	stream.strided.scatter [tilespmem:s28], [sflag:$0x3], $0x400, s16, s9, $0x38;
	[tilespmem:$0x5080] =	vst v63  }
0x59: {  	_ =	swait.ge [sflag:s29], $0x4000  }
0x5a: {  	[sflag:s29] =	ssyncset.done $0x0  }
0x5b: {  	s30 =	simm.s32 $0x2;
	[sflag:s29] =	ssyncadd.s32 $0xFFFFC000  }
0x5c: {  	_ =	swait.ge [sflag:s30], $0x1000  }
0x5d: {  	s5 =	sshll.u32 s5, $0x9;
	[sflag:s30] =	ssyncset.done $0x0  }
.Ltmp1:
0x5e: {  	s31 =	sadd.s32 s2, s5;
	[sflag:s30] =	ssyncadd.s32 $0xFFFFF000;
	(pc) =	sbr.rel .LBB2_3-.Ltmp1, $4  }
0x5f: {  	[hbm4b:s31+s3] =	stream.linear.scatter [tilespmem:s11], [sflag:$0x3], $0x1000, $0x38;
	[tilespmem:$0x5080] =	vst v63  }
0x60: {  	_ =	swait.ge [sflag:s29], $0x1000  }
0x61: {  	[sflag:s29] =	ssyncset.done $0x0  }
0x62: {  	[sflag:s29] =	ssyncadd.s32 $0xFFFFF000  }
.LBB2_2:
0x63: {  	s5 =	sshll.u32 s1, $0x2;
	v0 =	vlaneseq.u32  }
0x64: {  	s6 =	sadd.s32 $0x4, s5;
	v1 =	vshrl.u32 v0, $0x2  }
0x65: {  	v2 =	vor.u32 s6, v1  }
0x66: {  	v2 =	vmin.u32 v2, $0x43  }
0x67: {  	v3 =	vmulhi.u32 $0xF0F0F10, v2;
	_ =	sdelay $0x1  }
0x68: {  	v4 =	vmul.u32 $0xFFFFFFEF, v3;
	_ =	sdelay $0x1  }
0x69: {  	v2 =	vadd.s32 v2, v4  }
0x6a: {  	v2 =	vmul.u32 $0x1E, v2  }
0x6b: {  	s5 =	sadd.s32 $0x8, s5;
	v3 =	vshll.u32 v3, $0x9  }
0x6c: {  	v59 =	vand.u32 $0x3, v0;
	v1 =	vor.u32 s5, v1;
	v2 =	vadd.s32 v3, v2  }
0x6d: {  	v1 =	vmin.u32 v1, $0x43;
	v3 =	vmul.u32 $0x800, v59;
	vm0 =	vlt.s32 v2, $0x7FF  }
0x6e: {  	v5 =	vmulhi.u32 $0xF0F0F10, v1;
	v2 =	vnsel vm0, $0x7FF, v2  }
0x6f: {  	v60 =	vadd.s32 v3, v2  }
0x70: {  	v7 =	vmul.u32 $0xFFFFFFEF, v5;
	v6 =	vshll.u32 v60, $0x3  }
0x71: {  	v61 =	vand.u32 $0x7, v0;
	v2 =	vand.u32 $0x7, v2;
	v6 =	vand.u32 $0xFFFFFFC0, v6  }
0x72: {  	v62 =	vshrl.u32 v0, $0x3;
	v1 =	vadd.s32 v1, v7;
	v2 =	vor.u32 v2, v6  }
0x73: {  	v7 =	vmul.u32 $0x8, v62;
	v1 =	vmul.u32 $0x1E, v1;
	v6 =	vperm.xlane v2, v61  }
0x74: {  	v5 =	vshll.u32 v5, $0x9  }
0x75: {  	v1 =	vadd.s32 v5, v1;
	v63 =	vadd.s32 v7, v6  }
0x76: {  	vm14 =	vlt.s32 v1, $0x7FF  }
0x77: {  	v1 =	vnsel vm14, $0x7FF, v1  }
0x78: {  	v1 =	vadd.s32 v3, v1;
	[tilespmem:$0x0] =	vst v60  }
0x79: {  	vm15 =	vmmov $0xffff;
	s23 =	simm.s32 $0x80;
	[tilespmem:$0x10] =	vst v1  }
0x7a: {  	v0 =	vor.u32 $0x8, v0;
	[tilespmem:s23], [sflag:$0x1] =	stream.indirect_vreg.gather [hbm4b:s4+s3], $0x80, v63, vm15, $0xb8;
	[tilespmem:$0x5080] =	vst v63  }
0x7b: {  	s7 =	sadd.s32 $0x100, s4;
	s8 =	simm.s32 $0x880;
	v0 =	vperm.xlane v2, v0  }
0x7c: {  	[tilespmem:s8], [sflag:$0x1] =	stream.indirect_vreg.gather [hbm4b:s7+s3], $0x80, v63, vm15, $0xb8;
	[tilespmem:$0x5080] =	vst v63  }
0x7d: {  	s9 =	sadd.s32 $0x200, s4;
	s10 =	simm.s32 $0x1080;
	v0 =	vadd.s32 v7, v0  }
0x7e: {  	[tilespmem:s10], [sflag:$0x1] =	stream.indirect_vreg.gather [hbm4b:s9+s3], $0x80, v63, vm15, $0xb8;
	[tilespmem:$0x5080] =	vst v63  }
0x7f: {  	s11 =	sadd.s32 $0x300, s4;
	s12 =	simm.s32 $0x1880  }
0x80: {  	[tilespmem:s12], [sflag:$0x1] =	stream.indirect_vreg.gather [hbm4b:s11+s3], $0x80, v63, vm15, $0xb8;
	[tilespmem:$0x5080] =	vst v63  }
0x81: {  	s13 =	simm.s32 $0x2080  }
0x82: {  	[tilespmem:s13], [sflag:$0x1] =	stream.indirect_vreg.gather [hbm4b:s4+s3], $0x80, v0, vm15, $0xb8;
	[tilespmem:$0x5080] =	vst v63  }
0x83: {  	s24 =	simm.s32 $0x2880  }
0x84: {  	[tilespmem:s24], [sflag:$0x1] =	stream.indirect_vreg.gather [hbm4b:s7+s3], $0x80, v0, vm15, $0xb8;
	[tilespmem:$0x5080] =	vst v63  }
0x85: {  	s7 =	simm.s32 $0x3080  }
0x86: {  	[tilespmem:s7], [sflag:$0x1] =	stream.indirect_vreg.gather [hbm4b:s9+s3], $0x80, v0, vm15, $0xb8;
	[tilespmem:$0x5080] =	vst v63  }
0x87: {  	s25 =	simm.s32 $0x1;
	s9 =	simm.s32 $0x3880  }
0x88: {  	[tilespmem:s9], [sflag:$0x1] =	stream.indirect_vreg.gather [hbm4b:s11+s3], $0x80, v0, vm15, $0xb8;
	[tilespmem:$0x5080] =	vst v63  }
0x89: {  	s6 =	sshll.u32 s6, $0x9;
	_ =	swait.ge [sflag:s25], $0x4000  }
0x8a: {  	s2 =	sadd.s32 s2, s6;
	[sflag:s25] =	ssyncset.done $0x0  }
0x8b: {  	s6 =	simm.s32 $0x1000;
	s3 =	simm.s32 $0x200;
	[sflag:s25] =	ssyncadd.s32 $0xFFFFC000  }
0x8c: {  	[hbm4b:s2+s3] =	stream.strided.scatter [tilespmem:s23], [sflag:$0x3], $0x400, s6, s3, $0x38;
	[tilespmem:$0x5080] =	vst v63  }
0x8d: {  	s28 =	simm.s32 $0x480;
	s26 =	sadd.s32 $0x40, s2  }
0x8e: {  	[hbm4b:s26+s3] =	stream.strided.scatter [tilespmem:s28], [sflag:$0x3], $0x400, s6, s3, $0x38;
	[tilespmem:$0x5080] =	vst v63  }
0x8f: {  	s29 =	sadd.s32 $0x80, s2  }
0x90: {  	[hbm4b:s29+s3] =	stream.strided.scatter [tilespmem:s8], [sflag:$0x3], $0x400, s6, s3, $0x38;
	[tilespmem:$0x5080] =	vst v63  }
0x91: {  	s31 =	simm.s32 $0xC80;
	s30 =	sadd.s32 $0xC0, s2  }
0x92: {  	[hbm4b:s30+s3] =	stream.strided.scatter [tilespmem:s31], [sflag:$0x3], $0x400, s6, s3, $0x38;
	[tilespmem:$0x5080] =	vst v63  }
0x93: {  	s11 =	sadd.s32 $0x100, s2  }
0x94: {  	[hbm4b:s11+s3] =	stream.strided.scatter [tilespmem:s10], [sflag:$0x3], $0x400, s6, s3, $0x38;
	[tilespmem:$0x5080] =	vst v63  }
0x95: {  	s15 =	simm.s32 $0x1480;
	s14 =	sadd.s32 $0x140, s2  }
0x96: {  	[hbm4b:s14+s3] =	stream.strided.scatter [tilespmem:s15], [sflag:$0x3], $0x400, s6, s3, $0x38;
	[tilespmem:$0x5080] =	vst v63  }
0x97: {  	s16 =	sadd.s32 $0x180, s2  }
0x98: {  	[hbm4b:s16+s3] =	stream.strided.scatter [tilespmem:s12], [sflag:$0x3], $0x400, s6, s3, $0x38;
	[tilespmem:$0x5080] =	vst v63  }
0x99: {  	s18 =	simm.s32 $0x1C80;
	s17 =	sadd.s32 $0x1C0, s2  }
0x9a: {  	[hbm4b:s17+s3] =	stream.strided.scatter [tilespmem:s18], [sflag:$0x3], $0x400, s6, s3, $0x38;
	[tilespmem:$0x5080] =	vst v63  }
0x9b: {  	s19 =	sadd.s32 $0x400, s2  }
0x9c: {  	[hbm4b:s19+s3] =	stream.strided.scatter [tilespmem:s13], [sflag:$0x3], $0x400, s6, s3, $0x38;
	[tilespmem:$0x5080] =	vst v63  }
0x9d: {  	s21 =	simm.s32 $0x2480;
	s20 =	sadd.s32 $0x440, s2  }
0x9e: {  	[hbm4b:s20+s3] =	stream.strided.scatter [tilespmem:s21], [sflag:$0x3], $0x400, s6, s3, $0x38;
	[tilespmem:$0x5080] =	vst v63  }
0x9f: {  	s22 =	sadd.s32 $0x480, s2  }
0xa0: {  	[hbm4b:s22+s3] =	stream.strided.scatter [tilespmem:s24], [sflag:$0x3], $0x400, s6, s3, $0x38;
	[tilespmem:$0x5080] =	vst v63  }
0xa1: {  	s23 =	sadd.s32 $0x4C0, s2;
	s24 =	simm.s32 $0x2C80  }
0xa2: {  	[hbm4b:s23+s3] =	stream.strided.scatter [tilespmem:s24], [sflag:$0x3], $0x400, s6, s3, $0x38;
	[tilespmem:$0x5080] =	vst v63  }
0xa3: {  	s25 =	sadd.s32 $0x500, s2  }
0xa4: {  	[hbm4b:s25+s3] =	stream.strided.scatter [tilespmem:s7], [sflag:$0x3], $0x400, s6, s3, $0x38;
	[tilespmem:$0x5080] =	vst v63  }
0xa5: {  	s26 =	sadd.s32 $0x540, s2;
	s28 =	simm.s32 $0x3480  }
0xa6: {  	[hbm4b:s26+s3] =	stream.strided.scatter [tilespmem:s28], [sflag:$0x3], $0x400, s6, s3, $0x38;
	[tilespmem:$0x5080] =	vst v63  }
0xa7: {  	s29 =	sadd.s32 $0x580, s2  }
0xa8: {  	[hbm4b:s29+s3] =	stream.strided.scatter [tilespmem:s9], [sflag:$0x3], $0x400, s6, s3, $0x38;
	[tilespmem:$0x5080] =	vst v63  }
0xa9: {  	s2 =	sadd.s32 $0x5C0, s2;
	s30 =	simm.s32 $0x3C80;
	s31 =	simm.s32 $0x3  }
0xaa: {  	[hbm4b:s2+s3] =	stream.strided.scatter [tilespmem:s30], [sflag:$0x3], $0x400, s6, s3, $0x38;
	[tilespmem:$0x5080] =	vst v63  }
0xab: {  	_ =	swait.ge [sflag:s31], $0x4000  }
0xac: {  	[sflag:s31] =	ssyncset.done $0x0  }
0xad: {  	[sflag:s31] =	ssyncadd.s32 $0xFFFFC000  }
.LBB2_3:
0xae: {  	_ =	sfence.sel $0x180000  }
0xaf: {  	[bflag:$0x0] =	sbarrier.arrive $0xFFFF  }
0xb0: {  	p0 =	sne.s32 s1, $0x0;
	_ =	strace $0x90000047  }
0xb1: {  	s0 =	sadd.s32 @!p0 $0x100000, s0;
	[bflag:$0x2] =	sbarrier.arrive $0xFFFF  }
0xb2: {  	[sflag:s0] =	ssyncadd.tile.s32 @!p0 $0x1;
	_ =	shalt  }
.Lfunc_end2:
_tile_overlayer_lowered:
.L_overlay_start_2:
0xb3: {  	(tag) =	ssettag $0x2  }
0xb4: {  	s0 =	rddreg [dreg:$0x0];
	s2 =	stileid.u32  }
0xb5: {  	s1 =	rddreg [dreg:$0x1];
	p0 =	sne.s32 s2, $0x0  }
0xb6: {  	s3 =	rddreg [dreg:$0x2];
	[bflag:$0x3] =	sbarrier.arrive $0xFFFF;
	s2 =	simm.s32 @!p0 $0x1C03  }
0xb7: {  	[timem:s3], [sflag:s2] =	dma.local @!p0 [hbm:s0], s1  }
0xb8: {  	s0 =	simm.s32 @!p0 $0x3  }
0xb9: {  	_ =	swait.ge @!p0 [sflag:s0], s1  }
0xba: {  	s1 =	ssub.s32 @!p0 $0x0, s1;
	[sflag:s0] =	ssyncset.done @!p0 $0x0  }
0xbb: {  	[sflag:s0] =	ssyncadd.s32 @!p0 s1  }
0xbc: {  	[bflag:$0x3] =	sbarrier.arrive $0xFFFF  }
0xbd: {  	_ =	shalt  }

</sc_bundles>
